<compile_context>
chip_gen: v7x
topology: tpu7x:2x2x1
jax: 0.10.2.dev20260603
libtpu: 0.0.44.dev20260713+nightly
codegen_flags: <defaults>
</compile_context>

<pallas_src>
import functools

import numpy as np
import jax
from jax import lax
import jax.numpy as jnp
from jax.experimental import pallas as pl
from jax.experimental.pallas import tpu as pltpu
from jax.experimental.pallas import tpu_sc as plsc

N = 50000
B = 6250
NPER = 8
D = 128
DK = 64
NB = 10
HID = 64
L = 2
MAXR = 5.0
MAX_ATOMS = 100

G = 250
T = B // G
A = G * NPER
E = A * NPER

_INV_W = np.float32((NB - 1) / MAXR)
_INV_SQRT_DK = np.float32(1.0 / np.sqrt(DK))


NPAD = 50176
_BPW = NPAD // 32
_CHUNK = 784


def _sc_gather(table, idx):
    mesh = plsc.VectorSubcoreMesh(core_axis_name="c", subcore_axis_name="s")

    @functools.partial(
        pl.kernel, mesh=mesh,
        out_type=jax.ShapeDtypeStruct((NPAD, D), jnp.float32),
        scratch_types=[
            pltpu.VMEM((_CHUNK,), jnp.int32),
            pltpu.VMEM((_CHUNK, D), jnp.float32),
            pltpu.SemaphoreType.DMA,
        ],
    )
    def k(table_hbm, idx_hbm, out_hbm, idx_v, rows_v, sem):
        wid = lax.axis_index("s") * 2 + lax.axis_index("c")
        base = wid * _BPW
        for kk in range(_BPW // _CHUNK):
            off = base + kk * _CHUNK
            pltpu.sync_copy(idx_hbm.at[pl.ds(off, _CHUNK)], idx_v)
            pltpu.async_copy(table_hbm.at[idx_v], rows_v, sem).wait()
            pltpu.sync_copy(rows_v, out_hbm.at[pl.ds(off, _CHUNK)])

    return k(table, idx)


def _kern(c_ref, f0_ref, diag_ref, cnt_ref,
          W1cat_ref, b1cat_ref, Wqkv_ref, Kw2_ref, Vw2_ref,
          out_ref):
    dxyz = c_ref[0]
    d2 = jnp.sum(dxyz * dxyz, axis=1, keepdims=True)
    dist_e = jnp.sqrt(d2 + 1e-12)
    maskf = jnp.where(dist_e < MAXR, 1.0, 0.0) * diag_ref[0]

    centers = (jax.lax.broadcasted_iota(jnp.int32, (1, NB), 1)
               .astype(jnp.float32) * np.float32(MAXR / (NB - 1)))
    t = (dist_e - centers) * _INV_W
    rb = jnp.exp(-(t * t))

    h = rb @ W1cat_ref[...] + b1cat_ref[...]
    h = h * jax.nn.sigmoid(h)

    f = f0_ref[0]

    for l in range(L):
        qkv = jnp.dot(f, Wqkv_ref[l])
        fq = qkv[:, :DK]
        fkb = qkv[:, DK:2 * DK]
        fvb = qkv[:, 2 * DK:]

        wk = h[:, 2 * l * HID:(2 * l + 1) * HID] @ Kw2_ref[l]
        wv = h[:, (2 * l + 1) * HID:(2 * l + 2) * HID] @ Vw2_ref[l]

        fq_rep = jnp.broadcast_to(fq.reshape(G, NPER, 1, DK),
                                  (G, NPER, NPER, DK)).reshape(E, DK)
        fk_src = jnp.broadcast_to(fkb.reshape(G, 1, NPER, DK),
                                  (G, NPER, NPER, DK)).reshape(E, DK)
        prod = fq_rep * fk_src * wk
        lg = jnp.sum(prod, axis=1, keepdims=True)

        ex = jnp.exp(jnp.clip(lg, -60.0, 60.0)) * maskf
        den = ex.reshape(A, NPER).sum(axis=1, keepdims=True)

        fv_src = jnp.broadcast_to(fvb.reshape(G, 1, NPER, D),
                                  (G, NPER, NPER, D)).reshape(E, D)
        v = ex * wv * fv_src
        fraw = v.reshape(A, NPER, D).sum(axis=1)
        f = fraw * (1.0 / (den + 1e-9))

    pooled = f.reshape(G, NPER, D).sum(axis=1)
    out_ref[0] = pooled / cnt_ref[0]


def kernel(local_coords, atom_types, bb_num_vec, emb_table, Wq, Wk, Wv,
           Kw1, Kb1, Kw2, Vw1, Vb1, Vw2):
    def expand(a):
        src = jnp.tile(a, (1, NPER))
        dst = jnp.repeat(a, NPER, axis=1)
        return (src - dst).reshape(B * NPER * NPER)

    x = local_coords[:, 0].reshape(B, NPER)
    y = local_coords[:, 1].reshape(B, NPER)
    z = local_coords[:, 2].reshape(B, NPER)
    dxyz = jnp.stack([expand(x), expand(y), expand(z),
                      jnp.zeros((B * NPER * NPER,), jnp.float32)],
                     axis=1).reshape(T, E, 4)
    idx = jnp.concatenate([atom_types.astype(jnp.int32) - 1,
                           jnp.zeros((NPAD - N,), jnp.int32)])
    f0 = _sc_gather(emb_table, idx)[:N].reshape(T, A, D)
    cnt = bb_num_vec.astype(jnp.float32).reshape(T, G, 1)

    ii, jj = np.divmod(np.arange(NPER * NPER), NPER)
    diag_np = np.tile((ii != jj).astype(np.float32), A // NPER)
    diagm = jnp.asarray(diag_np).reshape(1, E, 1)

    W1cat = jnp.concatenate([Kw1[0], Vw1[0], Kw1[1], Vw1[1]], axis=1)
    b1cat = jnp.concatenate([Kb1[0], Vb1[0], Kb1[1], Vb1[1]], axis=0).reshape(1, 4 * HID)
    Wqkv = jnp.concatenate([Wq * _INV_SQRT_DK, Wk, Wv], axis=2)

    def tile_spec(shape):
        return pl.BlockSpec((1,) + shape, lambda i: (i, 0, 0))

    def full_spec(arr):
        nd = arr.ndim
        return pl.BlockSpec(arr.shape, lambda i: (0,) * nd)

    grid_spec = pl.GridSpec(
        grid=(T,),
        in_specs=[
            tile_spec((E, 4)),
            tile_spec((A, D)),
            full_spec(diagm),
            tile_spec((G, 1)),
            full_spec(W1cat), full_spec(b1cat), full_spec(Wqkv),
            full_spec(Kw2), full_spec(Vw2),
        ],
        out_specs=pl.BlockSpec((1, G, D), lambda i: (i, 0, 0)),
    )

    out = pl.pallas_call(
        _kern,
        grid_spec=grid_spec,
        out_shape=jax.ShapeDtypeStruct((T, G, D), jnp.float32),
        compiler_params=pltpu.CompilerParams(
            dimension_semantics=("parallel",),
            vmem_limit_bytes=100 * 1024 * 1024,
        ),
    )(dxyz, f0, diagm, cnt, W1cat, b1cat, Wqkv, Kw2, Vw2)
    return out.reshape(B, D)

# --- scband reference (transcript-rebuilt; emitter-appended) ---
"""Pipeline reference for scband-building-block-embed-27255862460555 (READ-ONLY COPY).

The authoritative reference and input builder live on the scoring server;
editing this copy changes nothing except your own understanding.
"""

import jax, jax.numpy as jnp
import numpy as np

N = 50000
B = 6250
NPER = 8
D = 128
DK = 64
NB = 10
HID = 64
L = 2
MAXR = 5.0
MAX_ATOMS = 100


def _edges():
    ii, jj = np.nonzero(~np.eye(NPER, dtype=bool))
    base = np.arange(B)[:, None] * NPER
    src = (base + jj[None, :]).reshape(-1)
    dst = (base + ii[None, :]).reshape(-1)
    return jnp.asarray(src, dtype=jnp.int32), jnp.asarray(dst, dtype=jnp.int32)


def _radial_basis(d):
    centers = jnp.linspace(0.0, MAXR, NB)
    width = MAXR / (NB - 1)
    return jnp.exp(-(((d[:, None] - centers[None, :]) / width) ** 2))


def setup_inputs(seed: int = 0) -> dict:
    key = jax.random.key(seed)
    ks = jax.random.split(key, 13)
    inp = {}
    inp['local_coords'] = jax.random.normal(ks[0], (N, 3), dtype=jnp.float32)
    inp['atom_types'] = jax.random.randint(ks[1], (N,), 1, MAX_ATOMS + 1, dtype=jnp.int32)
    inp['bb_num_vec'] = jnp.full((B,), NPER, dtype=jnp.int32)
    inp['emb_table'] = jax.random.normal(ks[2], (MAX_ATOMS, D), dtype=jnp.float32) * 0.05
    inp['Wq'] = jax.random.normal(ks[3], (L, D, DK), dtype=jnp.float32) / np.sqrt(D)
    inp['Wk'] = jax.random.normal(ks[4], (L, D, DK), dtype=jnp.float32) / np.sqrt(D)
    inp['Wv'] = jax.random.normal(ks[5], (L, D, D), dtype=jnp.float32) / np.sqrt(D)
    inp['Kw1'] = jax.random.normal(ks[6], (L, NB, HID), dtype=jnp.float32) / np.sqrt(NB)
    inp['Kb1'] = jnp.zeros((L, HID), dtype=jnp.float32)
    inp['Kw2'] = jax.random.normal(ks[7], (L, HID, DK), dtype=jnp.float32) / np.sqrt(HID)
    inp['Vw1'] = jax.random.normal(ks[8], (L, NB, HID), dtype=jnp.float32) / np.sqrt(NB)
    inp['Vb1'] = jnp.zeros((L, HID), dtype=jnp.float32)
    inp['Vw2'] = jax.random.normal(ks[9], (L, HID, D), dtype=jnp.float32) / np.sqrt(HID)
    return inp


def reference(local_coords, atom_types, bb_num_vec, emb_table, Wq, Wk, Wv, Kw1, Kb1, Kw2, Vw1, Vb1, Vw2):
    src, dst = _edges()
    # atom type embedding (atom_types are 1-based as in the torch module)
    f = jnp.take(emb_table, atom_types - 1, axis=0)
    # geometric edge quantities (fixed across layers)
    rel = local_coords[src] - local_coords[dst]
    dist = jnp.sqrt(jnp.sum(rel * rel, axis=-1) + 1e-12)
    mask = (dist < MAXR).astype(jnp.float32)
    rb = _radial_basis(dist)
    inv_sqrt_dk = 1.0 / jnp.sqrt(jnp.float32(DK))
    for l in range(L):
        # radial MLPs producing per-edge key/value weights (edge_l_max=0 -> scalar sh)
        wk = jax.nn.silu(rb @ Kw1[l] + Kb1[l]) @ Kw2[l]
        wv = jax.nn.silu(rb @ Vw1[l] + Vb1[l]) @ Vw2[l]
        fq = f @ Wq[l]
        fk = (f @ Wk[l])[src] * wk
        fv = (f @ Wv[l])[src] * wv
        logits = jnp.sum(fq[dst] * fk, axis=-1) * inv_sqrt_dk
        logits = jnp.where(mask > 0, logits, -1e30)
        m = jax.ops.segment_max(logits, dst, num_segments=N)
        ex = jnp.exp(logits - m[dst]) * mask
        den = jax.ops.segment_sum(ex, dst, num_segments=N)
        alpha = ex / (den[dst] + 1e-9)
        f = jax.ops.segment_sum(alpha[:, None] * fv, dst, num_segments=N)
    # global mean pool per building block (repeat_interleave(bb_num_vec))
    batch_bb = jnp.repeat(jnp.arange(B, dtype=jnp.int32), NPER)
    s = jax.ops.segment_sum(f, batch_bb, num_segments=B)
    cnt = bb_num_vec.astype(jnp.float32)
    return s / cnt[:, None]

if __name__ == "__main__":
    import jax
    _d = setup_inputs()
    print(jax.jit(kernel)(*tuple(_d.values())))

</pallas_src>

<mosaic_0001>
#map = affine_map<(d0, d1) -> (0, 0)>
#map1 = affine_map<(d0, d1) -> (0)>
module attributes {stable_mosaic.version = 14 : i64} {
  func.func @k(%arg0: i32, %arg1: i32, %arg2: memref<100x128xf32, #tpu.memory_space<hbm>>, %arg3: memref<50176xi32, #tpu.memory_space<hbm>>, %arg4: memref<50176x128xf32, #tpu.memory_space<hbm>>, %arg5: memref<784xi32, #tpu.memory_space<vmem>>, %arg6: memref<784x128xf32, #tpu.memory_space<vmem>>, %arg7: memref<!tpu.dma_semaphore, #tpu.memory_space<semaphore_mem>>) attributes {dimension_semantics = [#tpu.dimension_semantics<core_parallel>, #tpu.dimension_semantics<subcore_parallel>], iteration_bounds = array<i64: 2, 16>, scalar_prefetch = 0 : i64, scratch_operands = 3 : i64, tpu.core_type = #tpu.core_type<sc_vector_subcore>, window_params = [{transform_indices = #map}, {transform_indices = #map1}, {transform_indices = #map}]} {
    %mul3A = arith.constant 2 : i32
    %mul3A_0 = arith.muli %arg1, %mul3A : i32
    %add3A = arith.addi %mul3A_0, %arg0 : i32
    %mul3A_1 = arith.constant 1568 : i32
    %mul3A_2 = arith.muli %add3A, %mul3A_1 : i32
    %add3A_3 = arith.constant 0 : i32
    %add3A_4 = arith.addi %mul3A_2, %add3A_3 : i32
    "tpu.region"() ({
      %run_scoped3A = tpu.sem_alloc : memref<!tpu.dma_semaphore, #tpu.memory_space<semaphore_mem>>
      %dma_start3A_17 = tpu.memref_slice %arg3[%add3A_4] : memref<50176xi32, #tpu.memory_space<hbm>> -> memref<784xi32, #tpu.memory_space<hbm>>
      %dma_start3A_18 = tpu.memref_slice %arg3[%add3A_4] : memref<50176xi32, #tpu.memory_space<hbm>> -> memref<784xi32, #tpu.memory_space<hbm>>
      tpu.enqueue_dma source(%dma_start3A_18 : memref<784xi32, #tpu.memory_space<hbm>>) target(%arg5 : memref<784xi32, #tpu.memory_space<vmem>>) target_semaphore(%run_scoped3A : memref<!tpu.dma_semaphore, #tpu.memory_space<semaphore_mem>>)
      %dma_wait3A_19 = tpu.memref_slice %arg3[%add3A_4] : memref<50176xi32, #tpu.memory_space<hbm>> -> memref<784xi32, #tpu.memory_space<hbm>>
      %dma_wait3A_20 = tpu.memref_slice %arg3[%add3A_4] : memref<50176xi32, #tpu.memory_space<hbm>> -> memref<784xi32, #tpu.memory_space<hbm>>
      tpu.wait_dma2 semaphore(%run_scoped3A : memref<!tpu.dma_semaphore, #tpu.memory_space<semaphore_mem>>) src(%dma_wait3A_20 : memref<784xi32, #tpu.memory_space<hbm>>) dst(%arg5 : memref<784xi32, #tpu.memory_space<vmem>>)
      tpu.yield
    }) : () -> ()
    %dma_start3A = arith.constant 0 : i32
    %dma_start3A_5 = arith.constant 0 : i32
    %dma_start3A_6 = tpu.memref_slice %arg2[%dma_start3A, %dma_start3A_5] : memref<100x128xf32, #tpu.memory_space<hbm>> -> memref<100x128xf32, #tpu.memory_space<hbm>>
    tpu.enqueue_indirect_dma source(%dma_start3A_6 : memref<100x128xf32, #tpu.memory_space<hbm>>) target(%arg6 : memref<784x128xf32, #tpu.memory_space<vmem>>) offsets(%arg5 : memref<784xi32, #tpu.memory_space<vmem>>) semaphore(%arg7 : memref<!tpu.dma_semaphore, #tpu.memory_space<semaphore_mem>>)
    %dma_wait3A = arith.constant 0 : i32
    %dma_wait3A_7 = arith.constant 0 : i32
    %dma_wait3A_8 = tpu.memref_slice %arg2[%dma_wait3A, %dma_wait3A_7] : memref<100x128xf32, #tpu.memory_space<hbm>> -> memref<100x128xf32, #tpu.memory_space<hbm>>
    tpu.wait_indirect_dma semaphore(%arg7 : memref<!tpu.dma_semaphore, #tpu.memory_space<semaphore_mem>>) src(%dma_wait3A_8 : memref<100x128xf32, #tpu.memory_space<hbm>>) dst(%arg6 : memref<784x128xf32, #tpu.memory_space<vmem>>)
    "tpu.region"() ({
      %run_scoped3A = tpu.sem_alloc : memref<!tpu.dma_semaphore, #tpu.memory_space<semaphore_mem>>
      %dma_start3A_17 = arith.constant 0 : i32
      %dma_start3A_18 = tpu.memref_slice %arg4[%add3A_4, %dma_start3A_17] : memref<50176x128xf32, #tpu.memory_space<hbm>> -> memref<784x128xf32, #tpu.memory_space<hbm>>
      %dma_start3A_19 = arith.constant 0 : i32
      %dma_start3A_20 = tpu.memref_slice %arg4[%add3A_4, %dma_start3A_19] : memref<50176x128xf32, #tpu.memory_space<hbm>> -> memref<784x128xf32, #tpu.memory_space<hbm>>
      tpu.enqueue_dma source(%arg6 : memref<784x128xf32, #tpu.memory_space<vmem>>) target(%dma_start3A_20 : memref<784x128xf32, #tpu.memory_space<hbm>>) target_semaphore(%run_scoped3A : memref<!tpu.dma_semaphore, #tpu.memory_space<semaphore_mem>>)
      %dma_wait3A_21 = arith.constant 0 : i32
      %dma_wait3A_22 = tpu.memref_slice %arg4[%add3A_4, %dma_wait3A_21] : memref<50176x128xf32, #tpu.memory_space<hbm>> -> memref<784x128xf32, #tpu.memory_space<hbm>>
      %dma_wait3A_23 = arith.constant 0 : i32
      %dma_wait3A_24 = tpu.memref_slice %arg4[%add3A_4, %dma_wait3A_23] : memref<50176x128xf32, #tpu.memory_space<hbm>> -> memref<784x128xf32, #tpu.memory_space<hbm>>
      tpu.wait_dma2 semaphore(%run_scoped3A : memref<!tpu.dma_semaphore, #tpu.memory_space<semaphore_mem>>) src(%arg6 : memref<784x128xf32, #tpu.memory_space<vmem>>) dst(%dma_wait3A_24 : memref<784x128xf32, #tpu.memory_space<hbm>>)
      tpu.yield
    }) : () -> ()
    %add3A_9 = arith.constant 784 : i32
    %add3A_10 = arith.addi %mul3A_2, %add3A_9 : i32
    "tpu.region"() ({
      %run_scoped3A = tpu.sem_alloc : memref<!tpu.dma_semaphore, #tpu.memory_space<semaphore_mem>>
      %dma_start3A_17 = tpu.memref_slice %arg3[%add3A_10] : memref<50176xi32, #tpu.memory_space<hbm>> -> memref<784xi32, #tpu.memory_space<hbm>>
      %dma_start3A_18 = tpu.memref_slice %arg3[%add3A_10] : memref<50176xi32, #tpu.memory_space<hbm>> -> memref<784xi32, #tpu.memory_space<hbm>>
      tpu.enqueue_dma source(%dma_start3A_18 : memref<784xi32, #tpu.memory_space<hbm>>) target(%arg5 : memref<784xi32, #tpu.memory_space<vmem>>) target_semaphore(%run_scoped3A : memref<!tpu.dma_semaphore, #tpu.memory_space<semaphore_mem>>)
      %dma_wait3A_19 = tpu.memref_slice %arg3[%add3A_10] : memref<50176xi32, #tpu.memory_space<hbm>> -> memref<784xi32, #tpu.memory_space<hbm>>
      %dma_wait3A_20 = tpu.memref_slice %arg3[%add3A_10] : memref<50176xi32, #tpu.memory_space<hbm>> -> memref<784xi32, #tpu.memory_space<hbm>>
      tpu.wait_dma2 semaphore(%run_scoped3A : memref<!tpu.dma_semaphore, #tpu.memory_space<semaphore_mem>>) src(%dma_wait3A_20 : memref<784xi32, #tpu.memory_space<hbm>>) dst(%arg5 : memref<784xi32, #tpu.memory_space<vmem>>)
      tpu.yield
    }) : () -> ()
    %dma_start3A_11 = arith.constant 0 : i32
    %dma_start3A_12 = arith.constant 0 : i32
    %dma_start3A_13 = tpu.memref_slice %arg2[%dma_start3A_11, %dma_start3A_12] : memref<100x128xf32, #tpu.memory_space<hbm>> -> memref<100x128xf32, #tpu.memory_space<hbm>>
    tpu.enqueue_indirect_dma source(%dma_start3A_13 : memref<100x128xf32, #tpu.memory_space<hbm>>) target(%arg6 : memref<784x128xf32, #tpu.memory_space<vmem>>) offsets(%arg5 : memref<784xi32, #tpu.memory_space<vmem>>) semaphore(%arg7 : memref<!tpu.dma_semaphore, #tpu.memory_space<semaphore_mem>>)
    %dma_wait3A_14 = arith.constant 0 : i32
    %dma_wait3A_15 = arith.constant 0 : i32
    %dma_wait3A_16 = tpu.memref_slice %arg2[%dma_wait3A_14, %dma_wait3A_15] : memref<100x128xf32, #tpu.memory_space<hbm>> -> memref<100x128xf32, #tpu.memory_space<hbm>>
    tpu.wait_indirect_dma semaphore(%arg7 : memref<!tpu.dma_semaphore, #tpu.memory_space<semaphore_mem>>) src(%dma_wait3A_16 : memref<100x128xf32, #tpu.memory_space<hbm>>) dst(%arg6 : memref<784x128xf32, #tpu.memory_space<vmem>>)
    "tpu.region"() ({
      %run_scoped3A = tpu.sem_alloc : memref<!tpu.dma_semaphore, #tpu.memory_space<semaphore_mem>>
      %dma_start3A_17 = arith.constant 0 : i32
      %dma_start3A_18 = tpu.memref_slice %arg4[%add3A_10, %dma_start3A_17] : memref<50176x128xf32, #tpu.memory_space<hbm>> -> memref<784x128xf32, #tpu.memory_space<hbm>>
      %dma_start3A_19 = arith.constant 0 : i32
      %dma_start3A_20 = tpu.memref_slice %arg4[%add3A_10, %dma_start3A_19] : memref<50176x128xf32, #tpu.memory_space<hbm>> -> memref<784x128xf32, #tpu.memory_space<hbm>>
      tpu.enqueue_dma source(%arg6 : memref<784x128xf32, #tpu.memory_space<vmem>>) target(%dma_start3A_20 : memref<784x128xf32, #tpu.memory_space<hbm>>) target_semaphore(%run_scoped3A : memref<!tpu.dma_semaphore, #tpu.memory_space<semaphore_mem>>)
      %dma_wait3A_21 = arith.constant 0 : i32
      %dma_wait3A_22 = tpu.memref_slice %arg4[%add3A_10, %dma_wait3A_21] : memref<50176x128xf32, #tpu.memory_space<hbm>> -> memref<784x128xf32, #tpu.memory_space<hbm>>
      %dma_wait3A_23 = arith.constant 0 : i32
      %dma_wait3A_24 = tpu.memref_slice %arg4[%add3A_10, %dma_wait3A_23] : memref<50176x128xf32, #tpu.memory_space<hbm>> -> memref<784x128xf32, #tpu.memory_space<hbm>>
      tpu.wait_dma2 semaphore(%run_scoped3A : memref<!tpu.dma_semaphore, #tpu.memory_space<semaphore_mem>>) src(%arg6 : memref<784x128xf32, #tpu.memory_space<vmem>>) dst(%dma_wait3A_24 : memref<784x128xf32, #tpu.memory_space<hbm>>)
      tpu.yield
    }) : () -> ()
    return
  }
}

module attributes {stable_mosaic.version = 14 : i64} {
  func.func @_kern(%arg0: i32, %arg1: memref<1x16000x4xf32, #tpu.memory_space<vmem>>, %arg2: memref<1x2000x128xf32, #tpu.memory_space<vmem>>, %arg3: memref<1x16000x1xf32, #tpu.memory_space<vmem>>, %arg4: memref<1x250x1xf32, #tpu.memory_space<vmem>>, %arg5: memref<10x256xf32, #tpu.memory_space<vmem>>, %arg6: memref<1x256xf32, #tpu.memory_space<vmem>>, %arg7: memref<2x128x256xf32, #tpu.memory_space<vmem>>, %arg8: memref<2x64x64xf32, #tpu.memory_space<vmem>>, %arg9: memref<2x64x128xf32, #tpu.memory_space<vmem>>, %arg10: memref<1x250x128xf32, #tpu.memory_space<vmem>>) attributes {dimension_semantics = [#tpu.dimension_semantics<parallel>], iteration_bounds = array<i64: 25>, scalar_prefetch = 0 : i64, scratch_operands = 0 : i64, tpu.core_type = #tpu.core_type<tc>, window_params = [{transform_indices = @transform_0, window_bounds = array<i64: 1, 16000, 4>}, {transform_indices = @transform_1, window_bounds = array<i64: 1, 2000, 128>}, {pipeline_mode = #tpu.pipeline_mode<synchronous>, transform_indices = @transform_2, window_bounds = array<i64: 1, 16000, 1>}, {transform_indices = @transform_3, window_bounds = array<i64: 1, 250, 1>}, {pipeline_mode = #tpu.pipeline_mode<synchronous>, transform_indices = @transform_4, window_bounds = array<i64: 10, 256>}, {pipeline_mode = #tpu.pipeline_mode<synchronous>, transform_indices = @transform_5, window_bounds = array<i64: 1, 256>}, {pipeline_mode = #tpu.pipeline_mode<synchronous>, transform_indices = @transform_6, window_bounds = array<i64: 2, 128, 256>}, {pipeline_mode = #tpu.pipeline_mode<synchronous>, transform_indices = @transform_7, window_bounds = array<i64: 2, 64, 64>}, {pipeline_mode = #tpu.pipeline_mode<synchronous>, transform_indices = @transform_8, window_bounds = array<i64: 2, 64, 128>}, {transform_indices = @transform_9, window_bounds = array<i64: 1, 250, 128>}]} {
    %get3A = arith.constant 0 : index
    %get3A_0 = arith.constant 0 : index
    %get3A_1 = arith.constant 0 : index
    %get3A_2 = vector.load %arg1[%get3A, %get3A_0, %get3A_1] : memref<1x16000x4xf32, #tpu.memory_space<vmem>>, vector<1x16000x4xf32>
    %get3A_3 = vector.shape_cast %get3A_2 : vector<1x16000x4xf32> to vector<16000x4xf32>
    %mul3A = arith.mulf %get3A_3, %get3A_3 : vector<16000x4xf32>
    %reduce_sum3A = arith.constant dense<0.000000e+00> : vector<16000xf32>
    %reduce_sum3A_4 = vector.multi_reduction <add>, %mul3A, %reduce_sum3A [1] : vector<16000x4xf32> to vector<16000xf32>
    %broadcast_in_dim3A = vector.shape_cast %reduce_sum3A_4 : vector<16000xf32> to vector<16000x1xf32>
    %add3A = arith.constant 9.99999996E-13 : f32
    %add3A_5 = vector.broadcast %add3A : f32 to vector<16000x1xf32>
    %add3A_6 = arith.addf %broadcast_in_dim3A, %add3A_5 : vector<16000x1xf32>
    %sqrt3A = math.sqrt %add3A_6 : vector<16000x1xf32>
    %lt3A = arith.constant 5.000000e+00 : f32
    %lt3A_7 = vector.broadcast %lt3A : f32 to vector<16000x1xf32>
    %lt3A_8 = arith.cmpf olt, %sqrt3A, %lt3A_7 : vector<16000x1xf32>
    %jit3A = arith.constant 1.000000e+00 : f32
    %jit3A_9 = arith.constant 0.000000e+00 : f32
    %broadcast_in_dim3A_10 = vector.broadcast %jit3A : f32 to vector<16000x1xf32>
    %broadcast_in_dim3A_11 = vector.broadcast %jit3A_9 : f32 to vector<16000x1xf32>
    %select_n3A = arith.select %lt3A_8, %broadcast_in_dim3A_10, %broadcast_in_dim3A_11 : vector<16000x1xi1>, vector<16000x1xf32>
    %get3A_12 = arith.constant 0 : index
    %get3A_13 = arith.constant 0 : index
    %get3A_14 = arith.constant 0 : index
    %get3A_15 = vector.load %arg3[%get3A_12, %get3A_13, %get3A_14] : memref<1x16000x1xf32, #tpu.memory_space<vmem>>, vector<1x16000x1xf32>
    %get3A_16 = vector.shape_cast %get3A_15 : vector<1x16000x1xf32> to vector<16000x1xf32>
    %mul3A_17 = arith.mulf %select_n3A, %get3A_16 : vector<16000x1xf32>
    %iota3A = tpu.iota {dimensions = array<i32: 1>} : vector<1x10xi32>
    %convert_element_type3A = arith.sitofp %iota3A : vector<1x10xi32> to vector<1x10xf32>
    %mul3A_18 = arith.constant 0.555555582 : f32
    %mul3A_19 = vector.broadcast %mul3A_18 : f32 to vector<1x10xf32>
    %mul3A_20 = arith.mulf %convert_element_type3A, %mul3A_19 : vector<1x10xf32>
    %sub3A = vector.broadcast %sqrt3A : vector<16000x1xf32> to vector<16000x10xf32>
    %sub3A_21 = vector.broadcast %mul3A_20 : vector<1x10xf32> to vector<16000x10xf32>
    %sub3A_22 = arith.subf %sub3A, %sub3A_21 : vector<16000x10xf32>
    %mul3A_23 = arith.constant 1.800000e+00 : f32
    %mul3A_24 = vector.broadcast %mul3A_23 : f32 to vector<16000x10xf32>
    %mul3A_25 = arith.mulf %sub3A_22, %mul3A_24 : vector<16000x10xf32>
    %mul3A_26 = arith.mulf %mul3A_25, %mul3A_25 : vector<16000x10xf32>
    %neg3A = arith.constant 0.000000e+00 : f32
    %neg3A_27 = vector.broadcast %neg3A : f32 to vector<16000x10xf32>
    %neg3A_28 = arith.subf %neg3A_27, %mul3A_26 : vector<16000x10xf32>
    %exp3A = math.exp %neg3A_28 : vector<16000x10xf32>
    %get3A_29 = arith.constant 0 : index
    %get3A_30 = arith.constant 0 : index
    %get3A_31 = vector.load %arg5[%get3A_29, %get3A_30] : memref<10x256xf32, #tpu.memory_space<vmem>>, vector<10x256xf32>
    %dot_general3A = arith.constant dense<0.000000e+00> : vector<16000x256xf32>
    %dot_general3A_32 = tpu.matmul %exp3A, %get3A_31, %dot_general3A {dimension_numbers = #tpu.dot_dimension_numbers<[1], [0], [0], [1], [0, 0, 1, 1], [], []>, transpose_lhs_hint = false} : vector<16000x10xf32>, vector<10x256xf32>, vector<16000x256xf32> -> vector<16000x256xf32>
    %get3A_33 = arith.constant 0 : index
    %get3A_34 = arith.constant 0 : index
    %get3A_35 = vector.load %arg6[%get3A_33, %get3A_34] : memref<1x256xf32, #tpu.memory_space<vmem>>, vector<1x256xf32>
    %add3A_36 = vector.broadcast %get3A_35 : vector<1x256xf32> to vector<16000x256xf32>
    %add3A_37 = arith.addf %dot_general3A_32, %add3A_36 : vector<16000x256xf32>
    %logistic3A = arith.negf %add3A_37 : vector<16000x256xf32>
    %logistic3A_38 = math.exp %logistic3A : vector<16000x256xf32>
    %logistic3A_39 = arith.constant 1.000000e+00 : f32
    %logistic3A_40 = vector.broadcast %logistic3A_39 : f32 to vector<16000x256xf32>
    %logistic3A_41 = arith.addf %logistic3A_40, %logistic3A_38 : vector<16000x256xf32>
    %logistic3A_42 = arith.divf %logistic3A_40, %logistic3A_41 : vector<16000x256xf32>
    %mul3A_43 = arith.mulf %add3A_37, %logistic3A_42 : vector<16000x256xf32>
    %get3A_44 = arith.constant 0 : index
    %get3A_45 = arith.constant 0 : index
    %get3A_46 = arith.constant 0 : index
    %get3A_47 = vector.load %arg2[%get3A_44, %get3A_45, %get3A_46] : memref<1x2000x128xf32, #tpu.memory_space<vmem>>, vector<1x2000x128xf32>
    %get3A_48 = vector.shape_cast %get3A_47 : vector<1x2000x128xf32> to vector<2000x128xf32>
    %get3A_49 = arith.constant 0 : index
    %get3A_50 = arith.constant 0 : index
    %get3A_51 = arith.constant 0 : index
    %get3A_52 = vector.load %arg7[%get3A_49, %get3A_50, %get3A_51] : memref<2x128x256xf32, #tpu.memory_space<vmem>>, vector<1x128x256xf32>
    %get3A_53 = vector.shape_cast %get3A_52 : vector<1x128x256xf32> to vector<128x256xf32>
    %dot_general3A_54 = arith.constant dense<0.000000e+00> : vector<2000x256xf32>
    %dot_general3A_55 = tpu.matmul %get3A_48, %get3A_53, %dot_general3A_54 {dimension_numbers = #tpu.dot_dimension_numbers<[1], [0], [0], [1], [0, 0, 1, 1], [], []>, transpose_lhs_hint = false} : vector<2000x128xf32>, vector<128x256xf32>, vector<2000x256xf32> -> vector<2000x256xf32>
    %slice3A = vector.extract_strided_slice %dot_general3A_55 {offsets = [0, 0], sizes = [2000, 64], strides = [1, 1]} : vector<2000x256xf32> to vector<2000x64xf32>
    %slice3A_56 = vector.extract_strided_slice %dot_general3A_55 {offsets = [0, 64], sizes = [2000, 64], strides = [1, 1]} : vector<2000x256xf32> to vector<2000x64xf32>
    %slice3A_57 = vector.extract_strided_slice %dot_general3A_55 {offsets = [0, 128], sizes = [2000, 128], strides = [1, 1]} : vector<2000x256xf32> to vector<2000x128xf32>
    %slice3A_58 = vector.extract_strided_slice %mul3A_43 {offsets = [0, 0], sizes = [16000, 64], strides = [1, 1]} : vector<16000x256xf32> to vector<16000x64xf32>
    %get3A_59 = arith.constant 0 : index
    %get3A_60 = arith.constant 0 : index
    %get3A_61 = arith.constant 0 : index
    %get3A_62 = vector.load %arg8[%get3A_59, %get3A_60, %get3A_61] : memref<2x64x64xf32, #tpu.memory_space<vmem>>, vector<1x64x64xf32>
    %get3A_63 = vector.shape_cast %get3A_62 : vector<1x64x64xf32> to vector<64x64xf32>
    %dot_general3A_64 = arith.constant dense<0.000000e+00> : vector<16000x64xf32>
    %dot_general3A_65 = tpu.matmul %slice3A_58, %get3A_63, %dot_general3A_64 {dimension_numbers = #tpu.dot_dimension_numbers<[1], [0], [0], [1], [0, 0, 1, 1], [], []>, transpose_lhs_hint = false} : vector<16000x64xf32>, vector<64x64xf32>, vector<16000x64xf32> -> vector<16000x64xf32>
    %slice3A_66 = vector.extract_strided_slice %mul3A_43 {offsets = [0, 64], sizes = [16000, 64], strides = [1, 1]} : vector<16000x256xf32> to vector<16000x64xf32>
    %get3A_67 = arith.constant 0 : index
    %get3A_68 = arith.constant 0 : index
    %get3A_69 = arith.constant 0 : index
    %get3A_70 = vector.load %arg9[%get3A_67, %get3A_68, %get3A_69] : memref<2x64x128xf32, #tpu.memory_space<vmem>>, vector<1x64x128xf32>
    %get3A_71 = vector.shape_cast %get3A_70 : vector<1x64x128xf32> to vector<64x128xf32>
    %dot_general3A_72 = arith.constant dense<0.000000e+00> : vector<16000x128xf32>
    %dot_general3A_73 = tpu.matmul %slice3A_66, %get3A_71, %dot_general3A_72 {dimension_numbers = #tpu.dot_dimension_numbers<[1], [0], [0], [1], [0, 0, 1, 1], [], []>, transpose_lhs_hint = false} : vector<16000x64xf32>, vector<64x128xf32>, vector<16000x128xf32> -> vector<16000x128xf32>
    %reshape3A = vector.shape_cast %slice3A : vector<2000x64xf32> to vector<250x8x1x64xf32>
    %broadcast_in_dim3A_74 = vector.shape_cast %reshape3A : vector<250x8x1x64xf32> to vector<250x8x1x64xf32>
    %broadcast_in_dim3A_75 = vector.broadcast %broadcast_in_dim3A_74 : vector<250x8x1x64xf32> to vector<250x8x8x64xf32>
    %reshape3A_76 = vector.shape_cast %broadcast_in_dim3A_75 : vector<250x8x8x64xf32> to vector<16000x64xf32>
    %reshape3A_77 = vector.shape_cast %slice3A_56 : vector<2000x64xf32> to vector<250x1x8x64xf32>
    %broadcast_in_dim3A_78 = vector.shape_cast %reshape3A_77 : vector<250x1x8x64xf32> to vector<250x1x8x64xf32>
    %broadcast_in_dim3A_79 = vector.broadcast %broadcast_in_dim3A_78 : vector<250x1x8x64xf32> to vector<250x8x8x64xf32>
    %reshape3A_80 = vector.shape_cast %broadcast_in_dim3A_79 : vector<250x8x8x64xf32> to vector<16000x64xf32>
    %mul3A_81 = arith.mulf %reshape3A_76, %reshape3A_80 : vector<16000x64xf32>
    %mul3A_82 = arith.mulf %mul3A_81, %dot_general3A_65 : vector<16000x64xf32>
    %reduce_sum3A_83 = arith.constant dense<0.000000e+00> : vector<16000xf32>
    %reduce_sum3A_84 = vector.multi_reduction <add>, %mul3A_82, %reduce_sum3A_83 [1] : vector<16000x64xf32> to vector<16000xf32>
    %broadcast_in_dim3A_85 = vector.shape_cast %reduce_sum3A_84 : vector<16000xf32> to vector<16000x1xf32>
    %jit3A_86 = arith.constant -6.000000e+01 : f32
    %jit3A_87 = arith.constant 6.000000e+01 : f32
    %max3A = vector.broadcast %jit3A_86 : f32 to vector<16000x1xf32>
    %max3A_88 = arith.maximumf %max3A, %broadcast_in_dim3A_85 : vector<16000x1xf32>
    %min3A = vector.broadcast %jit3A_87 : f32 to vector<16000x1xf32>
    %min3A_89 = arith.minimumf %min3A, %max3A_88 : vector<16000x1xf32>
    %exp3A_90 = math.exp %min3A_89 : vector<16000x1xf32>
    %mul3A_91 = arith.mulf %exp3A_90, %mul3A_17 : vector<16000x1xf32>
    %reshape3A_92 = vector.shape_cast %mul3A_91 : vector<16000x1xf32> to vector<2000x8xf32>
    %reduce_sum3A_93 = arith.constant dense<0.000000e+00> : vector<2000xf32>
    %reduce_sum3A_94 = vector.multi_reduction <add>, %reshape3A_92, %reduce_sum3A_93 [1] : vector<2000x8xf32> to vector<2000xf32>
    %broadcast_in_dim3A_95 = vector.shape_cast %reduce_sum3A_94 : vector<2000xf32> to vector<2000x1xf32>
    %reshape3A_96 = vector.shape_cast %slice3A_57 : vector<2000x128xf32> to vector<250x1x8x128xf32>
    %broadcast_in_dim3A_97 = vector.shape_cast %reshape3A_96 : vector<250x1x8x128xf32> to vector<250x1x8x128xf32>
    %broadcast_in_dim3A_98 = vector.broadcast %broadcast_in_dim3A_97 : vector<250x1x8x128xf32> to vector<250x8x8x128xf32>
    %reshape3A_99 = vector.shape_cast %broadcast_in_dim3A_98 : vector<250x8x8x128xf32> to vector<16000x128xf32>
    %mul3A_100 = vector.broadcast %mul3A_91 : vector<16000x1xf32> to vector<16000x128xf32>
    %mul3A_101 = arith.mulf %mul3A_100, %dot_general3A_73 : vector<16000x128xf32>
    %mul3A_102 = arith.mulf %mul3A_101, %reshape3A_99 : vector<16000x128xf32>
    %reshape3A_103 = vector.shape_cast %mul3A_102 : vector<16000x128xf32> to vector<2000x8x128xf32>
    %reduce_sum3A_104 = arith.constant dense<0.000000e+00> : vector<2000x128xf32>
    %reduce_sum3A_105 = vector.multi_reduction <add>, %reshape3A_103, %reduce_sum3A_104 [1] : vector<2000x8x128xf32> to vector<2000x128xf32>
    %add3A_106 = arith.constant 9.99999971E-10 : f32
    %add3A_107 = vector.broadcast %add3A_106 : f32 to vector<2000x1xf32>
    %add3A_108 = arith.addf %broadcast_in_dim3A_95, %add3A_107 : vector<2000x1xf32>
    %div3A = arith.constant 1.000000e+00 : f32
    %div3A_109 = vector.broadcast %div3A : f32 to vector<2000x1xf32>
    %div3A_110 = arith.divf %div3A_109, %add3A_108 : vector<2000x1xf32>
    %mul3A_111 = vector.broadcast %div3A_110 : vector<2000x1xf32> to vector<2000x128xf32>
    %mul3A_112 = arith.mulf %reduce_sum3A_105, %mul3A_111 : vector<2000x128xf32>
    %get3A_113 = arith.constant 1 : index
    %get3A_114 = arith.constant 0 : index
    %get3A_115 = arith.constant 0 : index
    %get3A_116 = vector.load %arg7[%get3A_113, %get3A_114, %get3A_115] : memref<2x128x256xf32, #tpu.memory_space<vmem>>, vector<1x128x256xf32>
    %get3A_117 = vector.shape_cast %get3A_116 : vector<1x128x256xf32> to vector<128x256xf32>
    %dot_general3A_118 = arith.constant dense<0.000000e+00> : vector<2000x256xf32>
    %dot_general3A_119 = tpu.matmul %mul3A_112, %get3A_117, %dot_general3A_118 {dimension_numbers = #tpu.dot_dimension_numbers<[1], [0], [0], [1], [0, 0, 1, 1], [], []>, transpose_lhs_hint = false} : vector<2000x128xf32>, vector<128x256xf32>, vector<2000x256xf32> -> vector<2000x256xf32>
    %slice3A_120 = vector.extract_strided_slice %dot_general3A_119 {offsets = [0, 0], sizes = [2000, 64], strides = [1, 1]} : vector<2000x256xf32> to vector<2000x64xf32>
    %slice3A_121 = vector.extract_strided_slice %dot_general3A_119 {offsets = [0, 64], sizes = [2000, 64], strides = [1, 1]} : vector<2000x256xf32> to vector<2000x64xf32>
    %slice3A_122 = vector.extract_strided_slice %dot_general3A_119 {offsets = [0, 128], sizes = [2000, 128], strides = [1, 1]} : vector<2000x256xf32> to vector<2000x128xf32>
    %slice3A_123 = vector.extract_strided_slice %mul3A_43 {offsets = [0, 128], sizes = [16000, 64], strides = [1, 1]} : vector<16000x256xf32> to vector<16000x64xf32>
    %get3A_124 = arith.constant 1 : index
    %get3A_125 = arith.constant 0 : index
    %get3A_126 = arith.constant 0 : index
    %get3A_127 = vector.load %arg8[%get3A_124, %get3A_125, %get3A_126] : memref<2x64x64xf32, #tpu.memory_space<vmem>>, vector<1x64x64xf32>
    %get3A_128 = vector.shape_cast %get3A_127 : vector<1x64x64xf32> to vector<64x64xf32>
    %dot_general3A_129 = arith.constant dense<0.000000e+00> : vector<16000x64xf32>
    %dot_general3A_130 = tpu.matmul %slice3A_123, %get3A_128, %dot_general3A_129 {dimension_numbers = #tpu.dot_dimension_numbers<[1], [0], [0], [1], [0, 0, 1, 1], [], []>, transpose_lhs_hint = false} : vector<16000x64xf32>, vector<64x64xf32>, vector<16000x64xf32> -> vector<16000x64xf32>
    %slice3A_131 = vector.extract_strided_slice %mul3A_43 {offsets = [0, 192], sizes = [16000, 64], strides = [1, 1]} : vector<16000x256xf32> to vector<16000x64xf32>
    %get3A_132 = arith.constant 1 : index
    %get3A_133 = arith.constant 0 : index
    %get3A_134 = arith.constant 0 : index
    %get3A_135 = vector.load %arg9[%get3A_132, %get3A_133, %get3A_134] : memref<2x64x128xf32, #tpu.memory_space<vmem>>, vector<1x64x128xf32>
    %get3A_136 = vector.shape_cast %get3A_135 : vector<1x64x128xf32> to vector<64x128xf32>
    %dot_general3A_137 = arith.constant dense<0.000000e+00> : vector<16000x128xf32>
    %dot_general3A_138 = tpu.matmul %slice3A_131, %get3A_136, %dot_general3A_137 {dimension_numbers = #tpu.dot_dimension_numbers<[1], [0], [0], [1], [0, 0, 1, 1], [], []>, transpose_lhs_hint = false} : vector<16000x64xf32>, vector<64x128xf32>, vector<16000x128xf32> -> vector<16000x128xf32>
    %reshape3A_139 = vector.shape_cast %slice3A_120 : vector<2000x64xf32> to vector<250x8x1x64xf32>
    %broadcast_in_dim3A_140 = vector.shape_cast %reshape3A_139 : vector<250x8x1x64xf32> to vector<250x8x1x64xf32>
    %broadcast_in_dim3A_141 = vector.broadcast %broadcast_in_dim3A_140 : vector<250x8x1x64xf32> to vector<250x8x8x64xf32>
    %reshape3A_142 = vector.shape_cast %broadcast_in_dim3A_141 : vector<250x8x8x64xf32> to vector<16000x64xf32>
    %reshape3A_143 = vector.shape_cast %slice3A_121 : vector<2000x64xf32> to vector<250x1x8x64xf32>
    %broadcast_in_dim3A_144 = vector.shape_cast %reshape3A_143 : vector<250x1x8x64xf32> to vector<250x1x8x64xf32>
    %broadcast_in_dim3A_145 = vector.broadcast %broadcast_in_dim3A_144 : vector<250x1x8x64xf32> to vector<250x8x8x64xf32>
    %reshape3A_146 = vector.shape_cast %broadcast_in_dim3A_145 : vector<250x8x8x64xf32> to vector<16000x64xf32>
    %mul3A_147 = arith.mulf %reshape3A_142, %reshape3A_146 : vector<16000x64xf32>
    %mul3A_148 = arith.mulf %mul3A_147, %dot_general3A_130 : vector<16000x64xf32>
    %reduce_sum3A_149 = arith.constant dense<0.000000e+00> : vector<16000xf32>
    %reduce_sum3A_150 = vector.multi_reduction <add>, %mul3A_148, %reduce_sum3A_149 [1] : vector<16000x64xf32> to vector<16000xf32>
    %broadcast_in_dim3A_151 = vector.shape_cast %reduce_sum3A_150 : vector<16000xf32> to vector<16000x1xf32>
    %jit3A_152 = arith.constant -6.000000e+01 : f32
    %jit3A_153 = arith.constant 6.000000e+01 : f32
    %max3A_154 = vector.broadcast %jit3A_152 : f32 to vector<16000x1xf32>
    %max3A_155 = arith.maximumf %max3A_154, %broadcast_in_dim3A_151 : vector<16000x1xf32>
    %min3A_156 = vector.broadcast %jit3A_153 : f32 to vector<16000x1xf32>
    %min3A_157 = arith.minimumf %min3A_156, %max3A_155 : vector<16000x1xf32>
    %exp3A_158 = math.exp %min3A_157 : vector<16000x1xf32>
    %mul3A_159 = arith.mulf %exp3A_158, %mul3A_17 : vector<16000x1xf32>
    %reshape3A_160 = vector.shape_cast %mul3A_159 : vector<16000x1xf32> to vector<2000x8xf32>
    %reduce_sum3A_161 = arith.constant dense<0.000000e+00> : vector<2000xf32>
    %reduce_sum3A_162 = vector.multi_reduction <add>, %reshape3A_160, %reduce_sum3A_161 [1] : vector<2000x8xf32> to vector<2000xf32>
    %broadcast_in_dim3A_163 = vector.shape_cast %reduce_sum3A_162 : vector<2000xf32> to vector<2000x1xf32>
    %reshape3A_164 = vector.shape_cast %slice3A_122 : vector<2000x128xf32> to vector<250x1x8x128xf32>
    %broadcast_in_dim3A_165 = vector.shape_cast %reshape3A_164 : vector<250x1x8x128xf32> to vector<250x1x8x128xf32>
    %broadcast_in_dim3A_166 = vector.broadcast %broadcast_in_dim3A_165 : vector<250x1x8x128xf32> to vector<250x8x8x128xf32>
    %reshape3A_167 = vector.shape_cast %broadcast_in_dim3A_166 : vector<250x8x8x128xf32> to vector<16000x128xf32>
    %mul3A_168 = vector.broadcast %mul3A_159 : vector<16000x1xf32> to vector<16000x128xf32>
    %mul3A_169 = arith.mulf %mul3A_168, %dot_general3A_138 : vector<16000x128xf32>
    %mul3A_170 = arith.mulf %mul3A_169, %reshape3A_167 : vector<16000x128xf32>
    %reshape3A_171 = vector.shape_cast %mul3A_170 : vector<16000x128xf32> to vector<2000x8x128xf32>
    %reduce_sum3A_172 = arith.constant dense<0.000000e+00> : vector<2000x128xf32>
    %reduce_sum3A_173 = vector.multi_reduction <add>, %reshape3A_171, %reduce_sum3A_172 [1] : vector<2000x8x128xf32> to vector<2000x128xf32>
    %add3A_174 = arith.constant 9.99999971E-10 : f32
    %add3A_175 = vector.broadcast %add3A_174 : f32 to vector<2000x1xf32>
    %add3A_176 = arith.addf %broadcast_in_dim3A_163, %add3A_175 : vector<2000x1xf32>
    %div3A_177 = arith.constant 1.000000e+00 : f32
    %div3A_178 = vector.broadcast %div3A_177 : f32 to vector<2000x1xf32>
    %div3A_179 = arith.divf %div3A_178, %add3A_176 : vector<2000x1xf32>
    %mul3A_180 = vector.broadcast %div3A_179 : vector<2000x1xf32> to vector<2000x128xf32>
    %mul3A_181 = arith.mulf %reduce_sum3A_173, %mul3A_180 : vector<2000x128xf32>
    %reshape3A_182 = vector.shape_cast %mul3A_181 : vector<2000x128xf32> to vector<250x8x128xf32>
    %reduce_sum3A_183 = arith.constant dense<0.000000e+00> : vector<250x128xf32>
    %reduce_sum3A_184 = vector.multi_reduction <add>, %reshape3A_182, %reduce_sum3A_183 [1] : vector<250x8x128xf32> to vector<250x128xf32>
    %get3A_185 = arith.constant 0 : index
    %get3A_186 = arith.constant 0 : index
    %get3A_187 = arith.constant 0 : index
    %get3A_188 = vector.load %arg4[%get3A_185, %get3A_186, %get3A_187] : memref<1x250x1xf32, #tpu.memory_space<vmem>>, vector<1x250x1xf32>
    %get3A_189 = vector.shape_cast %get3A_188 : vector<1x250x1xf32> to vector<250x1xf32>
    %div3A_190 = vector.broadcast %get3A_189 : vector<250x1xf32> to vector<250x128xf32>
    %div3A_191 = arith.divf %reduce_sum3A_184, %div3A_190 : vector<250x128xf32>
    %swap3A = arith.constant 0 : index
    %swap3A_192 = arith.constant 0 : index
    %swap3A_193 = arith.constant 0 : index
    %swap3A_194 = vector.load %arg10[%swap3A, %swap3A_192, %swap3A_193] : memref<1x250x128xf32, #tpu.memory_space<vmem>>, vector<1x250x128xf32>
    %swap3A_195 = vector.shape_cast %swap3A_194 : vector<1x250x128xf32> to vector<250x128xf32>
    %swap3A_196 = vector.shape_cast %div3A_191 : vector<250x128xf32> to vector<1x250x128xf32>
    tpu.vector_store %arg10[%swap3A, %swap3A_192, %swap3A_193], %swap3A_196 {strides = array<i32>} : memref<1x250x128xf32, #tpu.memory_space<vmem>>, vector<1x250x128xf32>,
    return
  }
  func.func @transform_0(%arg0: i32) -> (i32, i32, i32) {
    %c0_i32 = arith.constant 0 : i32
    %c0_i32_0 = arith.constant 0 : i32
    %c0_i32_1 = arith.constant 0 : i32
    return %arg0, %c0_i32, %c0_i32_0 : i32, i32, i32
  }
  func.func @transform_1(%arg0: i32) -> (i32, i32, i32) {
    %c0_i32 = arith.constant 0 : i32
    %c0_i32_0 = arith.constant 0 : i32
    %c0_i32_1 = arith.constant 0 : i32
    return %arg0, %c0_i32, %c0_i32_0 : i32, i32, i32
  }
  func.func @transform_2(%arg0: i32) -> (i32, i32, i32) {
    %c0_i32 = arith.constant 0 : i32
    %c0_i32_0 = arith.constant 0 : i32
    %c0_i32_1 = arith.constant 0 : i32
    %c0_i32_2 = arith.constant 0 : i32
    return %c0_i32, %c0_i32_0, %c0_i32_1 : i32, i32, i32
  }
  func.func @transform_3(%arg0: i32) -> (i32, i32, i32) {
    %c0_i32 = arith.constant 0 : i32
    %c0_i32_0 = arith.constant 0 : i32
    %c0_i32_1 = arith.constant 0 : i32
    return %arg0, %c0_i32, %c0_i32_0 : i32, i32, i32
  }
  func.func @transform_4(%arg0: i32) -> (i32, i32) {
    %c0_i32 = arith.constant 0 : i32
    %c0_i32_0 = arith.constant 0 : i32
    %c0_i32_1 = arith.constant 0 : i32
    return %c0_i32, %c0_i32_0 : i32, i32
  }
  func.func @transform_5(%arg0: i32) -> (i32, i32) {
    %c0_i32 = arith.constant 0 : i32
    %c0_i32_0 = arith.constant 0 : i32
    %c0_i32_1 = arith.constant 0 : i32
    return %c0_i32, %c0_i32_0 : i32, i32
  }
  func.func @transform_6(%arg0: i32) -> (i32, i32, i32) {
    %c0_i32 = arith.constant 0 : i32
    %c0_i32_0 = arith.constant 0 : i32
    %c0_i32_1 = arith.constant 0 : i32
    %c0_i32_2 = arith.constant 0 : i32
    return %c0_i32, %c0_i32_0, %c0_i32_1 : i32, i32, i32
  }
  func.func @transform_7(%arg0: i32) -> (i32, i32, i32) {
    %c0_i32 = arith.constant 0 : i32
    %c0_i32_0 = arith.constant 0 : i32
    %c0_i32_1 = arith.constant 0 : i32
    %c0_i32_2 = arith.constant 0 : i32
    return %c0_i32, %c0_i32_0, %c0_i32_1 : i32, i32, i32
  }
  func.func @transform_8(%arg0: i32) -> (i32, i32, i32) {
    %c0_i32 = arith.constant 0 : i32
    %c0_i32_0 = arith.constant 0 : i32
    %c0_i32_1 = arith.constant 0 : i32
    %c0_i32_2 = arith.constant 0 : i32
    return %c0_i32, %c0_i32_0, %c0_i32_1 : i32, i32, i32
  }
  func.func @transform_9(%arg0: i32) -> (i32, i32, i32) {
    %c0_i32 = arith.constant 0 : i32
    %c0_i32_0 = arith.constant 0 : i32
    %c0_i32_1 = arith.constant 0 : i32
    return %arg0, %c0_i32, %c0_i32_0 : i32, i32, i32
  }
}

</mosaic_0001>

<sc_bundles>
// kernel: kernel.4.cloned.1.call-start
scs
__scs_entry_jumppad:
0x0: {  	(pc) =	sbr.rel $0x88, $3  }
0x1: {  	(tag) =	ssettag $0x0;
	lr =	simm.s32 $0x1  }
0x2: {  	[smem:$0x3F94] =	sst lr;
	_ =	strace $0xD0000000  }
0x3: {  	_ = 	snop  }
0x4: {  	_ = 	snop  }
0x5: {  	_ = 	snop  }
0x6: {  	_ = 	snop  }
0x7: {  	_ = 	snop  }
__scs_overlays_trampoline_lowered:
0x8: {  	[smem:$0x3FA3] =	sst s0  }
0x9: {  	[smem:$0x3FA4] =	sst s1  }
0xa: {  	[smem:$0x3FA5] =	sst s2  }
0xb: {  	[smem:$0x3FA6] =	sst s3  }
0xc: {  	[smem:$0x3FA7] =	sst s4  }
0xd: {  	[smem:$0x3FA8] =	sst s5  }
0xe: {  	[smem:$0x3FA9] =	sst s6  }
0xf: {  	[smem:$0x3FAA] =	sst s7  }
0x10: {  	[smem:$0x3FAB] =	sst s8  }
0x11: {  	[smem:$0x3FAC] =	sst s9;
	s0 =	simm.s32 @!p0 $0x0  }
0x12: {  	s1 =	sld [smem:$0x3F92];
	s0 =	simm.s32 @p0 $0x1  }
0x13: {  	[smem:$0x3FAD] =	sst s0;
	s0 =	simm.s32 @!p1 $0x0  }
0x14: {  	s2 =	sld [smem:$0x3F91];
	s0 =	simm.s32 @p1 $0x1  }
0x15: {  	[smem:$0x3FAE] =	sst s0;
	s0 =	simm.s32 @!p2 $0x0  }
0x16: {  	s3 =	sld [smem:$0x3FDB];
	s0 =	simm.s32 @p2 $0x1  }
0x17: {  	s4 =	simm.s32 $0x1BF5;
	[smem:$0x3FB0] =	sst s0  }
0x18: {  	s0 =	sld [smem:$0x3F93];
	_ =	swait.ge [sflag:s4], $0x0  }
0x19: {  	s7 =	sld [smem:$0x3F94]  }
0x1a: {  	s8 =	sadd.s32 $0xFFFFE003, lr  }
0x1b: {  	s9 =	sadd.s32 $0xFFFFFEF7, lr;
	s5 =	simm.s32 $0xFFFFFFFF;
	p2 =	slt.u32 s8, $0xFFFFF086  }
0x1c: {  	p1 =	slt.u32 s9, $0xF7A;
	s5 =	simm.s32 @!p2 $0x0  }
0x1d: {  	s5 =	simm.s32 @p1 $0x1;
	p0 =	seq.s32 s7, s2  }
0x1e: {  	s7 =	smul.u32 @!p0 $0xF7A, s2;
	p2 =	seq.s32 @!p0 s5, $0x0  }
0x1f: {  	s9 =	smul.u32 $0xF7A, s1;
	s8 =	simm.s32 @!p0 $0x1BF5;
	p2 =	por !p2, p0  }
0x20: {  	[sflag:s8] =	ssyncset.s32 @!p0 $0xFFFFF086;
	s6 =	sadd.s32 @!p0 s3, s7;
	s7 =	simm.s32 @!p0 $0x108  }
0x21: {  	s3 =	sadd.s32 s3, s9;
	s6 =	sadd.s32 @!p0 $0x88, s6;
	s7 =	simm.s32 @p2 $0x1082  }
0x22: {  	[simem:s7], [sflag:s8] =	dma.local @!p0 [hbm:s6], $0xF7A  }
0x23: {  	s9 =	sor.u32 $0xD0000000, s2;
	s6 =	simm.s32 $0x108;
	_ =	swait.ge @!p0 [sflag:s8], $0x0  }
0x24: {  	s3 =	sadd.s32 $0x88, s3;
	s6 =	simm.s32 @!p1 $0x1082;
	[sflag:s4] =	ssyncset.s32 $0xFFFFF086  }
0x25: {  	[simem:s6], [sflag:s4] =	dma.local [hbm:s3], $0xF7A  }
0x26: {  	[smem:$0x3F94] =	sst s1;
	(tag) =	ssettag s2;
	_ =	strace s9  }
0x27: {  	s1 =	sld [smem:$0x3FA4]  }
0x28: {  	s2 =	sld [smem:$0x3FA5]  }
0x29: {  	s4 =	sld [smem:$0x3FA7]  }
0x2a: {  	p0 =	seq.s32 s5, $0x0;
	s5 =	sld [smem:$0x3FA8]  }
0x2b: {  	s6 =	sld [smem:$0x3FA9]  }
0x2c: {  	s7 =	sld [smem:$0x3FAA]  }
0x2d: {  	s3 =	simm.s32 $0x108;
	s8 =	sld [smem:$0x3FAB]  }
0x2e: {  	s3 =	simm.s32 @!p0 $0x1082;
	s9 =	sld [smem:$0x3FAC]  }
0x2f: {  	lr =	sadd.s32 s0, s3;
	s0 =	sld [smem:$0x3FA3]  }
0x30: {  	s3 =	sld [smem:$0x3FA6]  }
0x31: {  	[smem:$0x3FAF] =	sst s10  }
0x32: {  	s10 =	sld [smem:$0x3FAD];
	_ =	sdelay $0x3  }
0x33: {  	p0 =	seq.s32 s10, $0x1;
	s10 =	sld [smem:$0x3FAF];
	_ =	sdelay $0x3  }
0x34: {  	[smem:$0x3FAF] =	sst s10  }
0x35: {  	s10 =	sld [smem:$0x3FAE];
	_ =	sdelay $0x3  }
0x36: {  	p1 =	seq.s32 s10, $0x1;
	s10 =	sld [smem:$0x3FAF];
	_ =	sdelay $0x3  }
0x37: {  	[smem:$0x3FAF] =	sst s10  }
0x38: {  	s10 =	sld [smem:$0x3FB0]  }
0x39: {  	_ = 	snop;
	(pc) =	sbr.ind lr, $3  }
0x3a: {  	_ = 	snop  }
0x3b: {  	_ = 	snop  }
0x3c: {  	p2 =	seq.s32 s10, $0x1;
	s10 =	sld [smem:$0x3FAF]  }
0x3d: {  	_ =	shalt  }
0x3e: {  	_ =	shalt  }
0x3f: {  	_ =	shalt  }
0x40: {  	_ =	shalt  }
0x41: {  	_ =	shalt  }
0x42: {  	_ =	shalt  }
0x43: {  	_ =	shalt  }
0x44: {  	_ =	shalt  }
0x45: {  	_ =	shalt  }
0x46: {  	_ =	shalt  }
0x47: {  	_ =	shalt  }
0x48: {  	_ =	shalt  }
0x49: {  	_ =	shalt  }
0x4a: {  	_ =	shalt  }
0x4b: {  	_ =	shalt  }
0x4c: {  	_ =	shalt  }
0x4d: {  	_ =	shalt  }
0x4e: {  	_ =	shalt  }
0x4f: {  	_ =	shalt  }
0x50: {  	_ =	shalt  }
0x51: {  	_ =	shalt  }
0x52: {  	_ =	shalt  }
0x53: {  	_ =	shalt  }
0x54: {  	_ =	shalt  }
0x55: {  	_ =	shalt  }
0x56: {  	_ =	shalt  }
0x57: {  	_ =	shalt  }
0x58: {  	_ =	shalt  }
0x59: {  	_ =	shalt  }
0x5a: {  	_ =	shalt  }
0x5b: {  	_ =	shalt  }
0x5c: {  	_ =	shalt  }
0x5d: {  	_ =	shalt  }
0x5e: {  	_ =	shalt  }
0x5f: {  	_ =	shalt  }
0x60: {  	_ =	shalt  }
0x61: {  	_ =	shalt  }
0x62: {  	_ =	shalt  }
0x63: {  	_ =	shalt  }
0x64: {  	_ =	shalt  }
0x65: {  	_ =	shalt  }
0x66: {  	_ =	shalt  }
0x67: {  	_ =	shalt  }
0x68: {  	_ =	shalt  }
0x69: {  	_ =	shalt  }
0x6a: {  	_ =	shalt  }
0x6b: {  	_ =	shalt  }
0x6c: {  	_ =	shalt  }
0x6d: {  	_ =	shalt  }
0x6e: {  	_ =	shalt  }
0x6f: {  	_ =	shalt  }
0x70: {  	_ =	shalt  }
0x71: {  	_ =	shalt  }
0x72: {  	_ =	shalt  }
0x73: {  	_ =	shalt  }
0x74: {  	_ =	shalt  }
0x75: {  	_ =	shalt  }
0x76: {  	_ =	shalt  }
0x77: {  	_ =	shalt  }
0x78: {  	_ =	shalt  }
0x79: {  	_ =	shalt  }
0x7a: {  	_ =	shalt  }
0x7b: {  	_ =	shalt  }
0x7c: {  	_ =	shalt  }
0x7d: {  	_ =	shalt  }
0x7e: {  	_ =	shalt  }
0x7f: {  	_ =	shalt  }
0x80: {  	_ =	shalt  }
0x81: {  	_ =	shalt  }
0x82: {  	_ =	shalt  }
0x83: {  	_ =	shalt  }
0x84: {  	_ =	shalt  }
0x85: {  	_ =	shalt  }
0x86: {  	_ =	shalt  }
0x87: {  	_ =	shalt  }
.Lfunc_end0:
.L_simem_size_0:
called_computation_lowered:
.L_overlay_start_0:
0x88: {  	s2 =	sld [smem:$0x3FD9]  }
0x89: {  	s3 =	sld [smem:$0x3FFE];
	_ =	sdelay $0x1  }
0x8a: {  	s1 =	srdreg.scid  }
0x8b: {  	s0 =	sand.u32 $0x1, s1  }
0x8c: {  	s17 =	sshll.u32 s0, $0xA;
	s2 =	sadd.s32 s3, s2  }
0x8d: {  	s2 =	sadd.s32 s2, s17  }
0x8e: {  	[smem:$0x3FBB] =	sst s2  }
0x8f: {  	_ = 	snop  }
0x90: {  	s2 =	sld [smem:$0x3FC6];
	(tm) =	ssettm $0x1  }
0x91: {  	s18 =	sld [smem:$0x3FFB];
	_ =	sdelay $0x3  }
0x92: {  	_ =	strace s18  }
0x93: {  	s3 =	sld [smem:$0x3FFC];
	_ =	sdelay $0x3  }
0x94: {  	_ =	strace s3  }
0x95: {  	s3 =	sld [smem:$0x3FFD];
	_ =	sdelay $0x3  }
0x96: {  	_ =	strace s3  }
0x97: {  	_ =	strace $0x8FFFFFFF  }
0x98: {  	s19 =	sld [smem:$0x3FDB];
	_ =	sdelay $0x1  }
0x99: {  	s4 =	simm.s32 $_scs_section_size  }
0x9a: {  	s5 =	simm.s32 $_size__tile_overlayer_lowered;
	s6 =	simm.s32 $_tile_overlayer_lowered  }
0x9b: {  	s22 =	simm.s32 $0x1BFF;
	s21 =	sshll.u32 s6, $0x1;
	s3 =	sadd.s32 s4, s19  }
0x9c: {  	s7 =	simm.s32 $0x0;
	s20 =	sshll.u32 s5, $0x1;
	s5 =	sadd.s32 s21, s3  }
0x9d: {  	[timem:s7], [sflag:s22] =	dma.local [hbm:s5], s20  }
0x9e: {  	_ =	swait.ge [sflag:s22], s20  }
0x9f: {  	s4 =	ssub.s32 $0x0, s20;
	[sflag:s22] =	ssyncset.done $0x0  }
0xa0: {  	[sflag:s22] =	ssyncadd.s32 s4;
	_ =	sdelay $0x1  }
0xa1: {  	s23 =	simm.s32 $0x1B8B  }
0xa2: {  	_ =	swait.ge [sflag:s23], $0x1  }
0xa3: {  	[sflag:s23] =	ssyncset.done $0x0  }
0xa4: {  	s25 =	simm.s32 $0x1B8E;
	s24 =	sld [smem:$0x3FFE];
	[sflag:s23] =	ssyncadd.s32 $0xFFFFFFFF  }
0xa5: {  	s26 =	simm.s32 $execute0_lowered;
	[smem:$0x3FD2] =	sst s25  }
0xa6: {  	s5 =	sshll.u32 s26, $0x1;
	_ =	strace $0x80000046;
	[dreg:$0x1] =	wrdreg $0xFFFFFFFF  }
0xa7: {  	s28 =	simm.s32 $_size_execute0_lowered;
	s3 =	sadd.s32 s3, s5;
	[dreg:$0x0] =	wrdreg $0x0  }
0xa8: {  	s5 =	sshll.u32 s28, $0x1;
	[dreg:$0x2] =	wrdreg s3  }
0xa9: {  	[dreg:$0x3] =	wrdreg s5  }
0xaa: {  	[dreg:$0x4] =	wrdreg $0xC0  }
0xab: {  	_ =	task [dreg:s7], $0x5FFFF  }
0xac: {  	[dreg:$0x1] =	wrdreg $0xFFFFFFFF  }
0xad: {  	[dreg:$0x0] =	wrdreg $0x60  }
0xae: {  	[dreg:$0x2] =	wrdreg s2  }
0xaf: {  	[dreg:$0x3] =	wrdreg s24  }
0xb0: {  	[dreg:$0x4] =	wrdreg $0x9  }
0xb1: {  	_ =	task.clear_ibuf [dreg:s7], $0x5FFFF;
	_ =	strace $0x90000046  }
0xb2: {  	s29 =	simm.s32 $0x9;
	_ =	strace $0x80000048  }
0xb3: {  	_ =	swait.ge [sflag:s29], $0x1  }
0xb4: {  	[sflag:s29] =	ssyncadd.s32 $0xFFFFFFFF  }
0xb5: {  	_ =	strace $0x90000048  }
0xb6: {  	_ =	sfence  }
0xb7: {  	s30 =	sld [smem:$0x0];
	_ =	sdelay $0x2  }
0xb8: {  	s31 =	sshll.u32 s1, $0xD;
	s1 =	sshrl.u32 s1, $0x2  }
0xb9: {  	s3 =	sand.u32 $0x4000, s31;
	s1 =	sadd.s32 s1, s30  }
0xba: {  	s0 =	sor.u32 s3, s0;
	s1 =	sshll.u32 s1, $0x11  }
0xbb: {  	s0 =	sor.u32 s1, s0  }
0xbc: {  	s0 =	sadd.s32 $0x8F2B, s0  }
0xbd: {  	[sflag:s0] =	ssyncadd.remote.s32 $0x1  }
0xbe: {  	_ =	sfence.sel $0xFFFF  }
0xbf: {  	[dreg:$0x0] =	wrdreg $0xFFFFFFFF;
	(pc) =	sbr.abs _section_cstart, $3  }
0xc0: {  	[dreg:$0x1] =	wrdreg $0xFFFFFFFF  }
0xc1: {  	_ =	task.clear_ibuf [dreg:s7], $0x2FFFF;
	_ =	strace $0x9FFFFFFF  }
0xc2: {  	(tm) =	ssettm $0x7FFFFFFF  }
0xc3: {  	_ =	shalt  }
tec
execute0_lowered:
.L_overlay_start_1:
0x0: {  	(tag) =	ssettag $0x1  }
0x1: {  	s1 =	srdreg.scid;
	s0 =	stileid.u32  }
0x2: {  	s11 =	sand.u32 $0x1, s1;
	s26 =	sshll.u32 s0, $0x1  }
0x3: {  	s2 =	rddreg [dreg:$0x0];
	s9 =	sor.u32 s11, s26  }
0x4: {  	s10 =	rddreg [dreg:$0x1];
	s12 =	smul.u32 $0x620, s9  }
0x5: {  	s3 =	simm.s32 $0x0;
	s1 =	rddreg [dreg:$0x2]  }
0x6: {  	[smem:$0x7FF] =	sst s3;
	s13 =	sadd.s32 $0x1200, s10;
	s4 =	sshrl.u32 s12, $0x3  }
0x7: {  	_ =	strace $0x80000047;
	s5 =	sadd.s32 s13, s4;
	s4 =	simm.s32 $0x2  }
0x8: {  	[tilespmem:s3], [sflag:$0x2] =	stream.linear.gather [hbm4b:s5+s3], $0x310, $0x38;
	[tilespmem:$0x18B80] =	vst v63  }
0x9: {  	_ =	swait.ge [sflag:s4], $0x310  }
0xa: {  	s6 =	simm.s32 $0x310;
	[sflag:s4] =	ssyncset.done $0x0  }
0xb: {  	s7 =	simm.s32 $0x380;
	s8 =	simm.s32 $0x1;
	[sflag:s4] =	ssyncadd.s32 $0xFFFFFCF0  }
0xc: {  	[tilespmem:s7], [sflag:$0x1] =	stream.indirect.gather [hbm4b:s2+s6], $0x80, s3, s6, $0xb8;
	[tilespmem:$0x18B80] =	vst v63  }
0xd: {  	s9 =	smul.u32 $0x6200, s9;
	_ =	swait.ge [sflag:s8], $0x18800  }
0xe: {  	s14 =	sadd.s32 $0x2C00, s10;
	[sflag:s8] =	ssyncset.done $0x0  }
0xf: {  	s9 =	sadd.s32 s14, s9;
	[sflag:s8] =	ssyncadd.s32 $0xFFFE7800  }
0x10: {  	[hbm4b:s9+s3] =	stream.linear.scatter [tilespmem:s7], [sflag:$0x2], $0x18800, $0x38;
	[tilespmem:$0x18B80] =	vst v63  }
0x11: {  	s12 =	sadd.s32 $0x310, s12;
	_ =	swait.ge [sflag:s4], $0x18800  }
0x12: {  	s28 =	sshrl.u32 s12, $0x3;
	[sflag:s4] =	ssyncset.done $0x0  }
0x13: {  	s11 =	ssub.s32 $0x2, s11;
	s10 =	sadd.s32 s13, s28;
	[sflag:s4] =	ssyncadd.s32 $0xFFFE7800  }
0x14: {  	[tilespmem:s3], [sflag:$0x2] =	stream.linear.gather [hbm4b:s10+s3], $0x310, $0x38;
	[tilespmem:$0x18B80] =	vst v63  }
0x15: {  	s29 =	sshrl.u32 s11, $0x1;
	_ =	swait.ge [sflag:s4], $0x310  }
0x16: {  	s13 =	ssub.s32 s11, s29;
	[sflag:s4] =	ssyncset.done $0x0  }
0x17: {  	s31 =	smax.u32 s13, $0x1;
	[sflag:s4] =	ssyncadd.s32 $0xFFFFFCF0  }
0x18: {  	[tilespmem:s7], [sflag:$0x1] =	stream.indirect.gather [hbm4b:s2+s6], $0x80, s3, s6, $0xb8;
	[tilespmem:$0x18B80] =	vst v63  }
0x19: {  	p0 =	sne.s32 s31, $0x1;
	_ =	swait.ge [sflag:s8], $0x18800  }
.Ltmp0:
0x1a: {  	s30 =	sshll.u32 s12, $0x4;
	[sflag:s8] =	ssyncset.done $0x0;
	(pc) =	sbr.rel @!p0 .LBB2_2-.Ltmp0, $4  }
0x1b: {  	s11 =	sadd.s32 s14, s30;
	[sflag:s8] =	ssyncadd.s32 $0xFFFE7800  }
0x1c: {  	[hbm4b:s11+s3] =	stream.linear.scatter [tilespmem:s7], [sflag:$0x2], $0x18800, $0x38;
	[tilespmem:$0x18B80] =	vst v63  }
0x1d: {  	_ =	swait.ge [sflag:s4], $0x18800  }
0x1e: {  	s12 =	sadd.s32 $0xFFFFFFFF, s31;
	[sflag:s4] =	ssyncset.done $0x0  }
.LBB2_1:
0x1f: {  	p0 =	sne.s32 s12, $0x1;
	s12 =	sadd.s32 $0xFFFFFFFF, s12;
	[sflag:s4] =	ssyncadd.s32 $0xFFFE7800  }
0x20: {  	[tilespmem:s3], [sflag:$0x2] =	stream.linear.gather [hbm4b:s5+s3], $0x310, $0x38;
	[tilespmem:$0x18B80] =	vst v63  }
0x21: {  	_ =	swait.ge [sflag:s4], $0x310  }
0x22: {  	[sflag:s4] =	ssyncset.done $0x0  }
0x23: {  	[sflag:s4] =	ssyncadd.s32 $0xFFFFFCF0  }
0x24: {  	[tilespmem:s7], [sflag:$0x1] =	stream.indirect.gather [hbm4b:s2+s6], $0x80, s3, s6, $0xb8;
	[tilespmem:$0x18B80] =	vst v63  }
0x25: {  	_ =	swait.ge [sflag:s8], $0x18800  }
0x26: {  	[sflag:s8] =	ssyncset.done $0x0  }
0x27: {  	[sflag:s8] =	ssyncadd.s32 $0xFFFE7800  }
0x28: {  	[hbm4b:s9+s3] =	stream.linear.scatter [tilespmem:s7], [sflag:$0x2], $0x18800, $0x38;
	[tilespmem:$0x18B80] =	vst v63  }
0x29: {  	_ =	swait.ge [sflag:s4], $0x18800  }
0x2a: {  	[sflag:s4] =	ssyncset.done $0x0  }
0x2b: {  	[sflag:s4] =	ssyncadd.s32 $0xFFFE7800  }
0x2c: {  	[tilespmem:s3], [sflag:$0x2] =	stream.linear.gather [hbm4b:s10+s3], $0x310, $0x38;
	[tilespmem:$0x18B80] =	vst v63  }
0x2d: {  	_ =	swait.ge [sflag:s4], $0x310  }
0x2e: {  	[sflag:s4] =	ssyncset.done $0x0  }
0x2f: {  	[sflag:s4] =	ssyncadd.s32 $0xFFFFFCF0  }
0x30: {  	[tilespmem:s7], [sflag:$0x1] =	stream.indirect.gather [hbm4b:s2+s6], $0x80, s3, s6, $0xb8;
	[tilespmem:$0x18B80] =	vst v63  }
0x31: {  	_ =	swait.ge [sflag:s8], $0x18800  }
.Ltmp1:
0x32: {  	[sflag:s8] =	ssyncset.done $0x0;
	(pc) =	sbr.rel @p0 .LBB2_1-.Ltmp1, $4  }
0x33: {  	[sflag:s8] =	ssyncadd.s32 $0xFFFE7800  }
0x34: {  	[hbm4b:s11+s3] =	stream.linear.scatter [tilespmem:s7], [sflag:$0x2], $0x18800, $0x38;
	[tilespmem:$0x18B80] =	vst v63  }
0x35: {  	_ =	swait.ge [sflag:s4], $0x18800  }
0x36: {  	[sflag:s4] =	ssyncset.done $0x0  }
.LBB2_2:
0x37: {  	[sflag:s4] =	ssyncadd.s32 $0xFFFE7800  }
0x38: {  	_ =	sfence.sel $0x180000  }
0x39: {  	[bflag:$0x0] =	sbarrier.arrive $0xFFFF  }
0x3a: {  	p0 =	sne.s32 s0, $0x0;
	_ =	strace $0x90000047  }
0x3b: {  	s0 =	sadd.s32 @!p0 $0x100000, s1;
	[bflag:$0x2] =	sbarrier.arrive $0xFFFF  }
0x3c: {  	[sflag:s0] =	ssyncadd.tile.s32 @!p0 $0x1;
	_ =	shalt  }
.Lfunc_end2:
_tile_overlayer_lowered:
.L_overlay_start_2:
0x3d: {  	(tag) =	ssettag $0x2  }
0x3e: {  	s0 =	rddreg [dreg:$0x0];
	s2 =	stileid.u32  }
0x3f: {  	s1 =	rddreg [dreg:$0x1];
	p0 =	sne.s32 s2, $0x0  }
0x40: {  	s3 =	rddreg [dreg:$0x2];
	[bflag:$0x3] =	sbarrier.arrive $0xFFFF;
	s2 =	simm.s32 @!p0 $0x1C02  }
0x41: {  	[timem:s3], [sflag:s2] =	dma.local @!p0 [hbm:s0], s1  }
0x42: {  	s0 =	simm.s32 @!p0 $0x2  }
0x43: {  	_ =	swait.ge @!p0 [sflag:s0], s1  }
0x44: {  	s1 =	ssub.s32 @!p0 $0x0, s1;
	[sflag:s0] =	ssyncset.done @!p0 $0x0  }
0x45: {  	[sflag:s0] =	ssyncadd.s32 @!p0 s1  }
0x46: {  	[bflag:$0x3] =	sbarrier.arrive $0xFFFF  }
0x47: {  	_ =	shalt  }

</sc_bundles>
